<compile_context>
chip_gen: v7x
topology: tpu7x:2x2x1
jax: 0.10.2.dev20260603
libtpu: 0.0.44.dev20260713+nightly
codegen_flags: <defaults>
</compile_context>

<pallas_src>
import functools

import jax
import jax.numpy as jnp
from jax import lax
from jax.experimental import pallas as pl
from jax.experimental.pallas import tpu as pltpu
from jax.experimental.pallas import tpu_sc as plsc

_NC = 2
_NS = 16
_NW = _NC * _NS
_GCH = 128


def _make_sc_gather(B, V, D):
  b_per_w = B // _NW
  n_gchunks = b_per_w // _GCH
  mesh = plsc.VectorSubcoreMesh(
      core_axis_name="c", subcore_axis_name="s",
      num_cores=_NC, num_subcores=_NS,
  )

  @functools.partial(
      pl.kernel,
      out_type=jax.ShapeDtypeStruct((B, D), jnp.bfloat16),
      mesh=mesh,
      scratch_types=[
          pltpu.VMEM((b_per_w,), jnp.int32),
          pltpu.VMEM((b_per_w, D), jnp.float32),
          pltpu.VMEM((b_per_w // 2, D), jnp.int32),
          [pltpu.SemaphoreType.DMA] * (b_per_w // _GCH),
          pltpu.SemaphoreType.DMA,
      ],
      compiler_params=pltpu.CompilerParams(
          needs_layout_passes=False,
      ),
  )
  def body(idx_hbm, table_hbm, out_hbm, idx_v, rows_v, out_v, gsems, osem):
    wid = lax.axis_index("s") * _NC + lax.axis_index("c")
    base = wid * b_per_w
    out_view = out_hbm.bitcast(jnp.int32)

    pltpu.sync_copy(idx_hbm.at[pl.ds(base, b_per_w)], idx_v)

    gathers = []
    for c in range(n_gchunks):
      gathers.append(
          pltpu.async_copy(
              table_hbm.at[idx_v.at[pl.ds(c * _GCH, _GCH)]],
              rows_v.at[pl.ds(c * _GCH, _GCH)],
              gsems[c],
          )
      )
    for g in gathers:
      g.wait()

    @plsc.parallel_loop(0, b_per_w // 2, unroll=4)
    def _pair(m):
      r = m * 2
      for j in range(D // 16):
        x0 = rows_v[r, pl.ds(j * 16, 16)]
        x1 = rows_v[r + 1, pl.ds(j * 16, 16)]
        out_v[m, pl.ds(j * 16, 16)] = plsc.bitcast(
            plsc.pack(x0, x1, format=plsc.PackFormat.INTERLEAVED), jnp.int32
        )

    pltpu.async_copy(
        out_v,
        out_view.at[pl.ds(pl.multiple_of(base // 2, 8), b_per_w // 2)],
        osem,
    ).wait()

  return body


def kernel(inputs, weights):
  B = inputs.shape[0]
  V, D = weights.shape
  idx = inputs.astype(jnp.int32)
  fn = _make_sc_gather(B, V, D)
  return fn(idx, weights)

# --- scband reference (transcript-rebuilt; emitter-appended) ---
"""Pipeline reference for scband-casted-sparse-embedding-1829656068696 (READ-ONLY COPY).

The authoritative reference and input builder live on the scoring server;
editing this copy changes nothing except your own understanding.
"""

import jax, jax.numpy as jnp
import numpy as np

NUM_EMBEDDINGS = 100000
EMBEDDING_DIM = 128
BATCH_SIZE = 16384
INIT_STD = 0.02


def setup_inputs(seed: int = 0) -> dict:
    key = jax.random.key(seed)
    k_idx, k_w = jax.random.split(key)
    inputs = jax.random.randint(k_idx, (BATCH_SIZE,), 0, NUM_EMBEDDINGS, dtype=jnp.int64)
    # trunc_normal_init_ approximated by clipped normal with std=INIT_STD
    w = jax.random.truncated_normal(k_w, -2.0, 2.0, (NUM_EMBEDDINGS, EMBEDDING_DIM), dtype=jnp.float32) * INIT_STD
    return {"inputs": inputs, "weights": w}


def reference(inputs, weights):
    # Eval-mode path of CastedSparseEmbedding.forward:
    #   return self.weights[inputs].to(self.cast_to)
    gathered = jnp.take(weights, inputs, axis=0)
    return gathered.astype(jnp.bfloat16)

if __name__ == "__main__":
    import jax
    _d = setup_inputs()
    print(jax.jit(kernel)(*tuple(_d.values())))

</pallas_src>

<mosaic_0001>
#map = affine_map<(d0, d1) -> (0)>
#map1 = affine_map<(d0, d1) -> (0, 0)>
module attributes {stable_mosaic.version = 14 : i64} {
  func.func @body(%arg0: i32, %arg1: i32, %arg2: memref<16384xi32, #tpu.memory_space<hbm>>, %arg3: memref<100000x128xf32, #tpu.memory_space<hbm>>, %arg4: memref<16384x128xbf16, #tpu.memory_space<hbm>>, %arg5: memref<512xi32, #tpu.memory_space<vmem>>, %arg6: memref<512x128xf32, #tpu.memory_space<vmem>>, %arg7: memref<256x128xi32, #tpu.memory_space<vmem>>, %arg8: memref<!tpu.dma_semaphore, #tpu.memory_space<semaphore_mem>>, %arg9: memref<!tpu.dma_semaphore, #tpu.memory_space<semaphore_mem>>, %arg10: memref<!tpu.dma_semaphore, #tpu.memory_space<semaphore_mem>>, %arg11: memref<!tpu.dma_semaphore, #tpu.memory_space<semaphore_mem>>, %arg12: memref<!tpu.dma_semaphore, #tpu.memory_space<semaphore_mem>>) attributes {dimension_semantics = [#tpu.dimension_semantics<core_parallel>, #tpu.dimension_semantics<subcore_parallel>], iteration_bounds = array<i64: 2, 16>, scalar_prefetch = 0 : i64, scratch_operands = 8 : i64, tpu.core_type = #tpu.core_type<sc_vector_subcore>, window_params = [{transform_indices = #map}, {transform_indices = #map1}, {transform_indices = #map1}]} {
    %mul3A = arith.constant 2 : i32
    %mul3A_0 = arith.muli %arg1, %mul3A : i32
    %add3A = arith.addi %mul3A_0, %arg0 : i32
    %mul3A_1 = arith.constant 512 : i32
    %mul3A_2 = arith.muli %add3A, %mul3A_1 : i32
    "tpu.region"() ({
      %run_scoped3A = tpu.sem_alloc : memref<!tpu.dma_semaphore, #tpu.memory_space<semaphore_mem>>
      %dma_start3A_95 = tpu.memref_slice %arg2[%mul3A_2] : memref<16384xi32, #tpu.memory_space<hbm>> -> memref<512xi32, #tpu.memory_space<hbm>>
      %dma_start3A_96 = tpu.memref_slice %arg2[%mul3A_2] : memref<16384xi32, #tpu.memory_space<hbm>> -> memref<512xi32, #tpu.memory_space<hbm>>
      tpu.enqueue_dma source(%dma_start3A_96 : memref<512xi32, #tpu.memory_space<hbm>>) target(%arg5 : memref<512xi32, #tpu.memory_space<vmem>>) target_semaphore(%run_scoped3A : memref<!tpu.dma_semaphore, #tpu.memory_space<semaphore_mem>>)
      %dma_wait3A_97 = tpu.memref_slice %arg2[%mul3A_2] : memref<16384xi32, #tpu.memory_space<hbm>> -> memref<512xi32, #tpu.memory_space<hbm>>
      %dma_wait3A_98 = tpu.memref_slice %arg2[%mul3A_2] : memref<16384xi32, #tpu.memory_space<hbm>> -> memref<512xi32, #tpu.memory_space<hbm>>
      tpu.wait_dma2 semaphore(%run_scoped3A : memref<!tpu.dma_semaphore, #tpu.memory_space<semaphore_mem>>) src(%dma_wait3A_98 : memref<512xi32, #tpu.memory_space<hbm>>) dst(%arg5 : memref<512xi32, #tpu.memory_space<vmem>>)
      tpu.yield
    }) : () -> ()
    %dma_start3A = arith.constant 0 : i32
    %dma_start3A_3 = arith.constant 0 : i32
    %dma_start3A_4 = tpu.memref_slice %arg6[%dma_start3A, %dma_start3A_3] : memref<512x128xf32, #tpu.memory_space<vmem>> -> memref<128x128xf32, #tpu.memory_space<vmem>>
    %dma_start3A_5 = arith.constant 0 : i32
    %dma_start3A_6 = tpu.memref_slice %arg5[%dma_start3A_5] : memref<512xi32, #tpu.memory_space<vmem>> -> memref<128xi32, #tpu.memory_space<vmem>>
    %dma_start3A_7 = arith.constant 0 : i32
    %dma_start3A_8 = arith.constant 0 : i32
    %dma_start3A_9 = tpu.memref_slice %arg3[%dma_start3A_7, %dma_start3A_8] : memref<100000x128xf32, #tpu.memory_space<hbm>> -> memref<100000x128xf32, #tpu.memory_space<hbm>>
    tpu.enqueue_indirect_dma source(%dma_start3A_9 : memref<100000x128xf32, #tpu.memory_space<hbm>>) target(%dma_start3A_4 : memref<128x128xf32, #tpu.memory_space<vmem>>) offsets(%dma_start3A_6 : memref<128xi32, #tpu.memory_space<vmem>>) semaphore(%arg8 : memref<!tpu.dma_semaphore, #tpu.memory_space<semaphore_mem>>)
    %dma_start3A_10 = arith.constant 128 : i32
    %dma_start3A_11 = arith.constant 0 : i32
    %dma_start3A_12 = tpu.memref_slice %arg6[%dma_start3A_10, %dma_start3A_11] : memref<512x128xf32, #tpu.memory_space<vmem>> -> memref<128x128xf32, #tpu.memory_space<vmem>>
    %dma_start3A_13 = arith.constant 128 : i32
    %dma_start3A_14 = tpu.memref_slice %arg5[%dma_start3A_13] : memref<512xi32, #tpu.memory_space<vmem>> -> memref<128xi32, #tpu.memory_space<vmem>>
    %dma_start3A_15 = arith.constant 0 : i32
    %dma_start3A_16 = arith.constant 0 : i32
    %dma_start3A_17 = tpu.memref_slice %arg3[%dma_start3A_15, %dma_start3A_16] : memref<100000x128xf32, #tpu.memory_space<hbm>> -> memref<100000x128xf32, #tpu.memory_space<hbm>>
    tpu.enqueue_indirect_dma source(%dma_start3A_17 : memref<100000x128xf32, #tpu.memory_space<hbm>>) target(%dma_start3A_12 : memref<128x128xf32, #tpu.memory_space<vmem>>) offsets(%dma_start3A_14 : memref<128xi32, #tpu.memory_space<vmem>>) semaphore(%arg9 : memref<!tpu.dma_semaphore, #tpu.memory_space<semaphore_mem>>)
    %dma_start3A_18 = arith.constant 256 : i32
    %dma_start3A_19 = arith.constant 0 : i32
    %dma_start3A_20 = tpu.memref_slice %arg6[%dma_start3A_18, %dma_start3A_19] : memref<512x128xf32, #tpu.memory_space<vmem>> -> memref<128x128xf32, #tpu.memory_space<vmem>>
    %dma_start3A_21 = arith.constant 256 : i32
    %dma_start3A_22 = tpu.memref_slice %arg5[%dma_start3A_21] : memref<512xi32, #tpu.memory_space<vmem>> -> memref<128xi32, #tpu.memory_space<vmem>>
    %dma_start3A_23 = arith.constant 0 : i32
    %dma_start3A_24 = arith.constant 0 : i32
    %dma_start3A_25 = tpu.memref_slice %arg3[%dma_start3A_23, %dma_start3A_24] : memref<100000x128xf32, #tpu.memory_space<hbm>> -> memref<100000x128xf32, #tpu.memory_space<hbm>>
    tpu.enqueue_indirect_dma source(%dma_start3A_25 : memref<100000x128xf32, #tpu.memory_space<hbm>>) target(%dma_start3A_20 : memref<128x128xf32, #tpu.memory_space<vmem>>) offsets(%dma_start3A_22 : memref<128xi32, #tpu.memory_space<vmem>>) semaphore(%arg10 : memref<!tpu.dma_semaphore, #tpu.memory_space<semaphore_mem>>)
    %dma_start3A_26 = arith.constant 384 : i32
    %dma_start3A_27 = arith.constant 0 : i32
    %dma_start3A_28 = tpu.memref_slice %arg6[%dma_start3A_26, %dma_start3A_27] : memref<512x128xf32, #tpu.memory_space<vmem>> -> memref<128x128xf32, #tpu.memory_space<vmem>>
    %dma_start3A_29 = arith.constant 384 : i32
    %dma_start3A_30 = tpu.memref_slice %arg5[%dma_start3A_29] : memref<512xi32, #tpu.memory_space<vmem>> -> memref<128xi32, #tpu.memory_space<vmem>>
    %dma_start3A_31 = arith.constant 0 : i32
    %dma_start3A_32 = arith.constant 0 : i32
    %dma_start3A_33 = tpu.memref_slice %arg3[%dma_start3A_31, %dma_start3A_32] : memref<100000x128xf32, #tpu.memory_space<hbm>> -> memref<100000x128xf32, #tpu.memory_space<hbm>>
    tpu.enqueue_indirect_dma source(%dma_start3A_33 : memref<100000x128xf32, #tpu.memory_space<hbm>>) target(%dma_start3A_28 : memref<128x128xf32, #tpu.memory_space<vmem>>) offsets(%dma_start3A_30 : memref<128xi32, #tpu.memory_space<vmem>>) semaphore(%arg11 : memref<!tpu.dma_semaphore, #tpu.memory_space<semaphore_mem>>)
    %dma_wait3A = arith.constant 0 : i32
    %dma_wait3A_34 = arith.constant 0 : i32
    %dma_wait3A_35 = tpu.memref_slice %arg6[%dma_wait3A, %dma_wait3A_34] : memref<512x128xf32, #tpu.memory_space<vmem>> -> memref<128x128xf32, #tpu.memory_space<vmem>>
    %dma_wait3A_36 = arith.constant 0 : i32
    %dma_wait3A_37 = tpu.memref_slice %arg5[%dma_wait3A_36] : memref<512xi32, #tpu.memory_space<vmem>> -> memref<128xi32, #tpu.memory_space<vmem>>
    %dma_wait3A_38 = arith.constant 0 : i32
    %dma_wait3A_39 = arith.constant 0 : i32
    %dma_wait3A_40 = tpu.memref_slice %arg3[%dma_wait3A_38, %dma_wait3A_39] : memref<100000x128xf32, #tpu.memory_space<hbm>> -> memref<100000x128xf32, #tpu.memory_space<hbm>>
    tpu.wait_indirect_dma semaphore(%arg8 : memref<!tpu.dma_semaphore, #tpu.memory_space<semaphore_mem>>) src(%dma_wait3A_40 : memref<100000x128xf32, #tpu.memory_space<hbm>>) dst(%dma_wait3A_35 : memref<128x128xf32, #tpu.memory_space<vmem>>)
    %dma_wait3A_41 = arith.constant 128 : i32
    %dma_wait3A_42 = arith.constant 0 : i32
    %dma_wait3A_43 = tpu.memref_slice %arg6[%dma_wait3A_41, %dma_wait3A_42] : memref<512x128xf32, #tpu.memory_space<vmem>> -> memref<128x128xf32, #tpu.memory_space<vmem>>
    %dma_wait3A_44 = arith.constant 128 : i32
    %dma_wait3A_45 = tpu.memref_slice %arg5[%dma_wait3A_44] : memref<512xi32, #tpu.memory_space<vmem>> -> memref<128xi32, #tpu.memory_space<vmem>>
    %dma_wait3A_46 = arith.constant 0 : i32
    %dma_wait3A_47 = arith.constant 0 : i32
    %dma_wait3A_48 = tpu.memref_slice %arg3[%dma_wait3A_46, %dma_wait3A_47] : memref<100000x128xf32, #tpu.memory_space<hbm>> -> memref<100000x128xf32, #tpu.memory_space<hbm>>
    tpu.wait_indirect_dma semaphore(%arg9 : memref<!tpu.dma_semaphore, #tpu.memory_space<semaphore_mem>>) src(%dma_wait3A_48 : memref<100000x128xf32, #tpu.memory_space<hbm>>) dst(%dma_wait3A_43 : memref<128x128xf32, #tpu.memory_space<vmem>>)
    %dma_wait3A_49 = arith.constant 256 : i32
    %dma_wait3A_50 = arith.constant 0 : i32
    %dma_wait3A_51 = tpu.memref_slice %arg6[%dma_wait3A_49, %dma_wait3A_50] : memref<512x128xf32, #tpu.memory_space<vmem>> -> memref<128x128xf32, #tpu.memory_space<vmem>>
    %dma_wait3A_52 = arith.constant 256 : i32
    %dma_wait3A_53 = tpu.memref_slice %arg5[%dma_wait3A_52] : memref<512xi32, #tpu.memory_space<vmem>> -> memref<128xi32, #tpu.memory_space<vmem>>
    %dma_wait3A_54 = arith.constant 0 : i32
    %dma_wait3A_55 = arith.constant 0 : i32
    %dma_wait3A_56 = tpu.memref_slice %arg3[%dma_wait3A_54, %dma_wait3A_55] : memref<100000x128xf32, #tpu.memory_space<hbm>> -> memref<100000x128xf32, #tpu.memory_space<hbm>>
    tpu.wait_indirect_dma semaphore(%arg10 : memref<!tpu.dma_semaphore, #tpu.memory_space<semaphore_mem>>) src(%dma_wait3A_56 : memref<100000x128xf32, #tpu.memory_space<hbm>>) dst(%dma_wait3A_51 : memref<128x128xf32, #tpu.memory_space<vmem>>)
    %dma_wait3A_57 = arith.constant 384 : i32
    %dma_wait3A_58 = arith.constant 0 : i32
    %dma_wait3A_59 = tpu.memref_slice %arg6[%dma_wait3A_57, %dma_wait3A_58] : memref<512x128xf32, #tpu.memory_space<vmem>> -> memref<128x128xf32, #tpu.memory_space<vmem>>
    %dma_wait3A_60 = arith.constant 384 : i32
    %dma_wait3A_61 = tpu.memref_slice %arg5[%dma_wait3A_60] : memref<512xi32, #tpu.memory_space<vmem>> -> memref<128xi32, #tpu.memory_space<vmem>>
    %dma_wait3A_62 = arith.constant 0 : i32
    %dma_wait3A_63 = arith.constant 0 : i32
    %dma_wait3A_64 = tpu.memref_slice %arg3[%dma_wait3A_62, %dma_wait3A_63] : memref<100000x128xf32, #tpu.memory_space<hbm>> -> memref<100000x128xf32, #tpu.memory_space<hbm>>
    tpu.wait_indirect_dma semaphore(%arg11 : memref<!tpu.dma_semaphore, #tpu.memory_space<semaphore_mem>>) src(%dma_wait3A_64 : memref<100000x128xf32, #tpu.memory_space<hbm>>) dst(%dma_wait3A_59 : memref<128x128xf32, #tpu.memory_space<vmem>>)
    %parallel_loop3A = arith.constant 0 : i32
    %parallel_loop3A_65 = arith.constant 256 : i32
    %parallel_loop3A_66 = arith.constant 1 : i32
    scf.for %parallel_loop3A_95 = %parallel_loop3A to %parallel_loop3A_65 step %parallel_loop3A_66  : i32 {
      %parallel_loop3A_96 = arith.constant 2 : i32
      %parallel_loop3A_97 = arith.muli %parallel_loop3A_95, %parallel_loop3A_96 : i32
      %parallel_loop3A_98 = arith.index_cast %parallel_loop3A_97 : i32 to index
      %parallel_loop3A_99 = arith.constant 0 : index
      %parallel_loop3A_100 = tpu.vector_load %arg6[%parallel_loop3A_98, %parallel_loop3A_99] {strides = array<i32>} : memref<512x128xf32, #tpu.memory_space<vmem>>, vector<16xf32>,
      %parallel_loop3A_101 = arith.constant 1 : i32
      %parallel_loop3A_102 = arith.addi %parallel_loop3A_97, %parallel_loop3A_101 : i32
      %parallel_loop3A_103 = arith.index_cast %parallel_loop3A_102 : i32 to index
      %parallel_loop3A_104 = arith.constant 0 : index
      %parallel_loop3A_105 = tpu.vector_load %arg6[%parallel_loop3A_103, %parallel_loop3A_104] {strides = array<i32>} : memref<512x128xf32, #tpu.memory_space<vmem>>, vector<16xf32>,
      %parallel_loop3A_106 = tpu.pack_subelements %parallel_loop3A_100, %parallel_loop3A_105 {pack_format = #tpu.pack_format<interleaved>, positions = array<i32: 0, 1>} : vector<16xf32>, vector<16xf32> -> vector<32xbf16>
      %parallel_loop3A_107 = vector.bitcast %parallel_loop3A_106 : vector<32xbf16> to vector<16xi32>
      %parallel_loop3A_108 = arith.index_cast %parallel_loop3A_95 : i32 to index
      %parallel_loop3A_109 = arith.constant 0 : index
      %parallel_loop3A_110 = tpu.vector_load %arg7[%parallel_loop3A_108, %parallel_loop3A_109] {strides = array<i32>} : memref<256x128xi32, #tpu.memory_space<vmem>>, vector<16xi32>,
      tpu.vector_store %arg7[%parallel_loop3A_108, %parallel_loop3A_109], %parallel_loop3A_107 {strides = array<i32>} : memref<256x128xi32, #tpu.memory_space<vmem>>, vector<16xi32>,
      %parallel_loop3A_111 = arith.index_cast %parallel_loop3A_97 : i32 to index
      %parallel_loop3A_112 = arith.constant 16 : index
      %parallel_loop3A_113 = tpu.vector_load %arg6[%parallel_loop3A_111, %parallel_loop3A_112] {strides = array<i32>} : memref<512x128xf32, #tpu.memory_space<vmem>>, vector<16xf32>,
      %parallel_loop3A_114 = arith.constant 1 : i32
      %parallel_loop3A_115 = arith.addi %parallel_loop3A_97, %parallel_loop3A_114 : i32
      %parallel_loop3A_116 = arith.index_cast %parallel_loop3A_115 : i32 to index
      %parallel_loop3A_117 = arith.constant 16 : index
      %parallel_loop3A_118 = tpu.vector_load %arg6[%parallel_loop3A_116, %parallel_loop3A_117] {strides = array<i32>} : memref<512x128xf32, #tpu.memory_space<vmem>>, vector<16xf32>,
      %parallel_loop3A_119 = tpu.pack_subelements %parallel_loop3A_113, %parallel_loop3A_118 {pack_format = #tpu.pack_format<interleaved>, positions = array<i32: 0, 1>} : vector<16xf32>, vector<16xf32> -> vector<32xbf16>
      %parallel_loop3A_120 = vector.bitcast %parallel_loop3A_119 : vector<32xbf16> to vector<16xi32>
      %parallel_loop3A_121 = arith.index_cast %parallel_loop3A_95 : i32 to index
      %parallel_loop3A_122 = arith.constant 16 : index
      %parallel_loop3A_123 = tpu.vector_load %arg7[%parallel_loop3A_121, %parallel_loop3A_122] {strides = array<i32>} : memref<256x128xi32, #tpu.memory_space<vmem>>, vector<16xi32>,
      tpu.vector_store %arg7[%parallel_loop3A_121, %parallel_loop3A_122], %parallel_loop3A_120 {strides = array<i32>} : memref<256x128xi32, #tpu.memory_space<vmem>>, vector<16xi32>,
      %parallel_loop3A_124 = arith.index_cast %parallel_loop3A_97 : i32 to index
      %parallel_loop3A_125 = arith.constant 32 : index
      %parallel_loop3A_126 = tpu.vector_load %arg6[%parallel_loop3A_124, %parallel_loop3A_125] {strides = array<i32>} : memref<512x128xf32, #tpu.memory_space<vmem>>, vector<16xf32>,
      %parallel_loop3A_127 = arith.constant 1 : i32
      %parallel_loop3A_128 = arith.addi %parallel_loop3A_97, %parallel_loop3A_127 : i32
      %parallel_loop3A_129 = arith.index_cast %parallel_loop3A_128 : i32 to index
      %parallel_loop3A_130 = arith.constant 32 : index
      %parallel_loop3A_131 = tpu.vector_load %arg6[%parallel_loop3A_129, %parallel_loop3A_130] {strides = array<i32>} : memref<512x128xf32, #tpu.memory_space<vmem>>, vector<16xf32>,
      %parallel_loop3A_132 = tpu.pack_subelements %parallel_loop3A_126, %parallel_loop3A_131 {pack_format = #tpu.pack_format<interleaved>, positions = array<i32: 0, 1>} : vector<16xf32>, vector<16xf32> -> vector<32xbf16>
      %parallel_loop3A_133 = vector.bitcast %parallel_loop3A_132 : vector<32xbf16> to vector<16xi32>
      %parallel_loop3A_134 = arith.index_cast %parallel_loop3A_95 : i32 to index
      %parallel_loop3A_135 = arith.constant 32 : index
      %parallel_loop3A_136 = tpu.vector_load %arg7[%parallel_loop3A_134, %parallel_loop3A_135] {strides = array<i32>} : memref<256x128xi32, #tpu.memory_space<vmem>>, vector<16xi32>,
      tpu.vector_store %arg7[%parallel_loop3A_134, %parallel_loop3A_135], %parallel_loop3A_133 {strides = array<i32>} : memref<256x128xi32, #tpu.memory_space<vmem>>, vector<16xi32>,
      %parallel_loop3A_137 = arith.index_cast %parallel_loop3A_97 : i32 to index
      %parallel_loop3A_138 = arith.constant 48 : index
      %parallel_loop3A_139 = tpu.vector_load %arg6[%parallel_loop3A_137, %parallel_loop3A_138] {strides = array<i32>} : memref<512x128xf32, #tpu.memory_space<vmem>>, vector<16xf32>,
      %parallel_loop3A_140 = arith.constant 1 : i32
      %parallel_loop3A_141 = arith.addi %parallel_loop3A_97, %parallel_loop3A_140 : i32
      %parallel_loop3A_142 = arith.index_cast %parallel_loop3A_141 : i32 to index
      %parallel_loop3A_143 = arith.constant 48 : index
      %parallel_loop3A_144 = tpu.vector_load %arg6[%parallel_loop3A_142, %parallel_loop3A_143] {strides = array<i32>} : memref<512x128xf32, #tpu.memory_space<vmem>>, vector<16xf32>,
      %parallel_loop3A_145 = tpu.pack_subelements %parallel_loop3A_139, %parallel_loop3A_144 {pack_format = #tpu.pack_format<interleaved>, positions = array<i32: 0, 1>} : vector<16xf32>, vector<16xf32> -> vector<32xbf16>
      %parallel_loop3A_146 = vector.bitcast %parallel_loop3A_145 : vector<32xbf16> to vector<16xi32>
      %parallel_loop3A_147 = arith.index_cast %parallel_loop3A_95 : i32 to index
      %parallel_loop3A_148 = arith.constant 48 : index
      %parallel_loop3A_149 = tpu.vector_load %arg7[%parallel_loop3A_147, %parallel_loop3A_148] {strides = array<i32>} : memref<256x128xi32, #tpu.memory_space<vmem>>, vector<16xi32>,
      tpu.vector_store %arg7[%parallel_loop3A_147, %parallel_loop3A_148], %parallel_loop3A_146 {strides = array<i32>} : memref<256x128xi32, #tpu.memory_space<vmem>>, vector<16xi32>,
      %parallel_loop3A_150 = arith.index_cast %parallel_loop3A_97 : i32 to index
      %parallel_loop3A_151 = arith.constant 64 : index
      %parallel_loop3A_152 = tpu.vector_load %arg6[%parallel_loop3A_150, %parallel_loop3A_151] {strides = array<i32>} : memref<512x128xf32, #tpu.memory_space<vmem>>, vector<16xf32>,
      %parallel_loop3A_153 = arith.constant 1 : i32
      %parallel_loop3A_154 = arith.addi %parallel_loop3A_97, %parallel_loop3A_153 : i32
      %parallel_loop3A_155 = arith.index_cast %parallel_loop3A_154 : i32 to index
      %parallel_loop3A_156 = arith.constant 64 : index
      %parallel_loop3A_157 = tpu.vector_load %arg6[%parallel_loop3A_155, %parallel_loop3A_156] {strides = array<i32>} : memref<512x128xf32, #tpu.memory_space<vmem>>, vector<16xf32>,
      %parallel_loop3A_158 = tpu.pack_subelements %parallel_loop3A_152, %parallel_loop3A_157 {pack_format = #tpu.pack_format<interleaved>, positions = array<i32: 0, 1>} : vector<16xf32>, vector<16xf32> -> vector<32xbf16>
      %parallel_loop3A_159 = vector.bitcast %parallel_loop3A_158 : vector<32xbf16> to vector<16xi32>
      %parallel_loop3A_160 = arith.index_cast %parallel_loop3A_95 : i32 to index
      %parallel_loop3A_161 = arith.constant 64 : index
      %parallel_loop3A_162 = tpu.vector_load %arg7[%parallel_loop3A_160, %parallel_loop3A_161] {strides = array<i32>} : memref<256x128xi32, #tpu.memory_space<vmem>>, vector<16xi32>,
      tpu.vector_store %arg7[%parallel_loop3A_160, %parallel_loop3A_161], %parallel_loop3A_159 {strides = array<i32>} : memref<256x128xi32, #tpu.memory_space<vmem>>, vector<16xi32>,
      %parallel_loop3A_163 = arith.index_cast %parallel_loop3A_97 : i32 to index
      %parallel_loop3A_164 = arith.constant 80 : index
      %parallel_loop3A_165 = tpu.vector_load %arg6[%parallel_loop3A_163, %parallel_loop3A_164] {strides = array<i32>} : memref<512x128xf32, #tpu.memory_space<vmem>>, vector<16xf32>,
      %parallel_loop3A_166 = arith.constant 1 : i32
      %parallel_loop3A_167 = arith.addi %parallel_loop3A_97, %parallel_loop3A_166 : i32
      %parallel_loop3A_168 = arith.index_cast %parallel_loop3A_167 : i32 to index
      %parallel_loop3A_169 = arith.constant 80 : index
      %parallel_loop3A_170 = tpu.vector_load %arg6[%parallel_loop3A_168, %parallel_loop3A_169] {strides = array<i32>} : memref<512x128xf32, #tpu.memory_space<vmem>>, vector<16xf32>,
      %parallel_loop3A_171 = tpu.pack_subelements %parallel_loop3A_165, %parallel_loop3A_170 {pack_format = #tpu.pack_format<interleaved>, positions = array<i32: 0, 1>} : vector<16xf32>, vector<16xf32> -> vector<32xbf16>
      %parallel_loop3A_172 = vector.bitcast %parallel_loop3A_171 : vector<32xbf16> to vector<16xi32>
      %parallel_loop3A_173 = arith.index_cast %parallel_loop3A_95 : i32 to index
      %parallel_loop3A_174 = arith.constant 80 : index
      %parallel_loop3A_175 = tpu.vector_load %arg7[%parallel_loop3A_173, %parallel_loop3A_174] {strides = array<i32>} : memref<256x128xi32, #tpu.memory_space<vmem>>, vector<16xi32>,
      tpu.vector_store %arg7[%parallel_loop3A_173, %parallel_loop3A_174], %parallel_loop3A_172 {strides = array<i32>} : memref<256x128xi32, #tpu.memory_space<vmem>>, vector<16xi32>,
      %parallel_loop3A_176 = arith.index_cast %parallel_loop3A_97 : i32 to index
      %parallel_loop3A_177 = arith.constant 96 : index
      %parallel_loop3A_178 = tpu.vector_load %arg6[%parallel_loop3A_176, %parallel_loop3A_177] {strides = array<i32>} : memref<512x128xf32, #tpu.memory_space<vmem>>, vector<16xf32>,
      %parallel_loop3A_179 = arith.constant 1 : i32
      %parallel_loop3A_180 = arith.addi %parallel_loop3A_97, %parallel_loop3A_179 : i32
      %parallel_loop3A_181 = arith.index_cast %parallel_loop3A_180 : i32 to index
      %parallel_loop3A_182 = arith.constant 96 : index
      %parallel_loop3A_183 = tpu.vector_load %arg6[%parallel_loop3A_181, %parallel_loop3A_182] {strides = array<i32>} : memref<512x128xf32, #tpu.memory_space<vmem>>, vector<16xf32>,
      %parallel_loop3A_184 = tpu.pack_subelements %parallel_loop3A_178, %parallel_loop3A_183 {pack_format = #tpu.pack_format<interleaved>, positions = array<i32: 0, 1>} : vector<16xf32>, vector<16xf32> -> vector<32xbf16>
      %parallel_loop3A_185 = vector.bitcast %parallel_loop3A_184 : vector<32xbf16> to vector<16xi32>
      %parallel_loop3A_186 = arith.index_cast %parallel_loop3A_95 : i32 to index
      %parallel_loop3A_187 = arith.constant 96 : index
      %parallel_loop3A_188 = tpu.vector_load %arg7[%parallel_loop3A_186, %parallel_loop3A_187] {strides = array<i32>} : memref<256x128xi32, #tpu.memory_space<vmem>>, vector<16xi32>,
      tpu.vector_store %arg7[%parallel_loop3A_186, %parallel_loop3A_187], %parallel_loop3A_185 {strides = array<i32>} : memref<256x128xi32, #tpu.memory_space<vmem>>, vector<16xi32>,
      %parallel_loop3A_189 = arith.index_cast %parallel_loop3A_97 : i32 to index
      %parallel_loop3A_190 = arith.constant 112 : index
      %parallel_loop3A_191 = tpu.vector_load %arg6[%parallel_loop3A_189, %parallel_loop3A_190] {strides = array<i32>} : memref<512x128xf32, #tpu.memory_space<vmem>>, vector<16xf32>,
      %parallel_loop3A_192 = arith.constant 1 : i32
      %parallel_loop3A_193 = arith.addi %parallel_loop3A_97, %parallel_loop3A_192 : i32
      %parallel_loop3A_194 = arith.index_cast %parallel_loop3A_193 : i32 to index
      %parallel_loop3A_195 = arith.constant 112 : index
      %parallel_loop3A_196 = tpu.vector_load %arg6[%parallel_loop3A_194, %parallel_loop3A_195] {strides = array<i32>} : memref<512x128xf32, #tpu.memory_space<vmem>>, vector<16xf32>,
      %parallel_loop3A_197 = tpu.pack_subelements %parallel_loop3A_191, %parallel_loop3A_196 {pack_format = #tpu.pack_format<interleaved>, positions = array<i32: 0, 1>} : vector<16xf32>, vector<16xf32> -> vector<32xbf16>
      %parallel_loop3A_198 = vector.bitcast %parallel_loop3A_197 : vector<32xbf16> to vector<16xi32>
      %parallel_loop3A_199 = arith.index_cast %parallel_loop3A_95 : i32 to index
      %parallel_loop3A_200 = arith.constant 112 : index
      %parallel_loop3A_201 = tpu.vector_load %arg7[%parallel_loop3A_199, %parallel_loop3A_200] {strides = array<i32>} : memref<256x128xi32, #tpu.memory_space<vmem>>, vector<16xi32>,
      tpu.vector_store %arg7[%parallel_loop3A_199, %parallel_loop3A_200], %parallel_loop3A_198 {strides = array<i32>} : memref<256x128xi32, #tpu.memory_space<vmem>>, vector<16xi32>,
    } {sc.loop_unroll_factor = 4 : i64, sc.parallel_access}
    %jit3A = arith.constant 2 : i32
    %div3A = arith.divsi %mul3A_2, %jit3A : i32
    %sign3A = arith.constant 0 : i32
    %sign3A_67 = arith.cmpi sgt, %mul3A_2, %sign3A : i32
    %sign3A_68 = arith.extui %sign3A_67 : i1 to i32
    %sign3A_69 = arith.constant 0 : i32
    %sign3A_70 = arith.cmpi slt, %mul3A_2, %sign3A_69 : i32
    %sign3A_71 = arith.extui %sign3A_70 : i1 to i32
    %sign3A_72 = arith.subi %sign3A_68, %sign3A_71 : i32
    %sign3A_73 = arith.constant 0 : i32
    %sign3A_74 = arith.cmpi sgt, %jit3A, %sign3A_73 : i32
    %sign3A_75 = arith.extui %sign3A_74 : i1 to i32
    %sign3A_76 = arith.constant 0 : i32
    %sign3A_77 = arith.cmpi slt, %jit3A, %sign3A_76 : i32
    %sign3A_78 = arith.extui %sign3A_77 : i1 to i32
    %sign3A_79 = arith.subi %sign3A_75, %sign3A_78 : i32
    %ne3A = arith.cmpi ne, %sign3A_72, %sign3A_79 : i32
    %rem3A = arith.remsi %mul3A_2, %jit3A : i32
    %ne3A_80 = arith.constant 0 : i32
    %ne3A_81 = arith.cmpi ne, %rem3A, %ne3A_80 : i32
    %and3A = arith.andi %ne3A, %ne3A_81 : i1
    %sub3A = arith.constant 1 : i32
    %sub3A_82 = arith.subi %div3A, %sub3A : i32
    %select_n3A = arith.select %and3A, %sub3A_82, %div3A : i32
    %multiple_of3A = tpu.assume_multiple %select_n3A, 8 : i32
    %dma_start3A_83 = tpu.memref_bitcast %arg4 : memref<16384x128xbf16, #tpu.memory_space<hbm>> -> memref<8192x128xi32, #tpu.memory_space<hbm>>
    %dma_start3A_84 = arith.constant 0 : i32
    %dma_start3A_85 = tpu.memref_slice %dma_start3A_83[%multiple_of3A, %dma_start3A_84] : memref<8192x128xi32, #tpu.memory_space<hbm>> -> memref<256x128xi32, #tpu.memory_space<hbm>>
    %dma_start3A_86 = tpu.memref_bitcast %arg4 : memref<16384x128xbf16, #tpu.memory_space<hbm>> -> memref<8192x128xi32, #tpu.memory_space<hbm>>
    %dma_start3A_87 = arith.constant 0 : i32
    %dma_start3A_88 = tpu.memref_slice %dma_start3A_86[%multiple_of3A, %dma_start3A_87] : memref<8192x128xi32, #tpu.memory_space<hbm>> -> memref<256x128xi32, #tpu.memory_space<hbm>>
    tpu.enqueue_dma source(%arg7 : memref<256x128xi32, #tpu.memory_space<vmem>>) target(%dma_start3A_88 : memref<256x128xi32, #tpu.memory_space<hbm>>) target_semaphore(%arg12 : memref<!tpu.dma_semaphore, #tpu.memory_space<semaphore_mem>>)
    %dma_wait3A_89 = tpu.memref_bitcast %arg4 : memref<16384x128xbf16, #tpu.memory_space<hbm>> -> memref<8192x128xi32, #tpu.memory_space<hbm>>
    %dma_wait3A_90 = arith.constant 0 : i32
    %dma_wait3A_91 = tpu.memref_slice %dma_wait3A_89[%multiple_of3A, %dma_wait3A_90] : memref<8192x128xi32, #tpu.memory_space<hbm>> -> memref<256x128xi32, #tpu.memory_space<hbm>>
    %dma_wait3A_92 = tpu.memref_bitcast %arg4 : memref<16384x128xbf16, #tpu.memory_space<hbm>> -> memref<8192x128xi32, #tpu.memory_space<hbm>>
    %dma_wait3A_93 = arith.constant 0 : i32
    %dma_wait3A_94 = tpu.memref_slice %dma_wait3A_92[%multiple_of3A, %dma_wait3A_93] : memref<8192x128xi32, #tpu.memory_space<hbm>> -> memref<256x128xi32, #tpu.memory_space<hbm>>
    tpu.wait_dma2 semaphore(%arg12 : memref<!tpu.dma_semaphore, #tpu.memory_space<semaphore_mem>>) src(%arg7 : memref<256x128xi32, #tpu.memory_space<vmem>>) dst(%dma_wait3A_94 : memref<256x128xi32, #tpu.memory_space<hbm>>)
    return
  }
}

</mosaic_0001>

<sc_bundles>
// kernel: kernel.3.cloned.1.call-start
scs
__scs_entry_jumppad:
0x0: {  	(pc) =	sbr.rel $0x88, $3  }
0x1: {  	(tag) =	ssettag $0x0;
	lr =	simm.s32 $0x1  }
0x2: {  	[smem:$0x3F9F] =	sst lr;
	_ =	strace $0xD0000000  }
0x3: {  	_ = 	snop  }
0x4: {  	_ = 	snop  }
0x5: {  	_ = 	snop  }
0x6: {  	_ = 	snop  }
0x7: {  	_ = 	snop  }
__scs_overlays_trampoline_lowered:
0x8: {  	[smem:$0x3FAE] =	sst s0  }
0x9: {  	[smem:$0x3FAF] =	sst s1  }
0xa: {  	[smem:$0x3FB0] =	sst s2  }
0xb: {  	[smem:$0x3FB1] =	sst s3  }
0xc: {  	[smem:$0x3FB2] =	sst s4  }
0xd: {  	[smem:$0x3FB3] =	sst s5  }
0xe: {  	[smem:$0x3FB4] =	sst s6  }
0xf: {  	[smem:$0x3FB5] =	sst s7  }
0x10: {  	[smem:$0x3FB6] =	sst s8  }
0x11: {  	[smem:$0x3FB7] =	sst s9;
	s0 =	simm.s32 @!p0 $0x0  }
0x12: {  	s1 =	sld [smem:$0x3F9D];
	s0 =	simm.s32 @p0 $0x1  }
0x13: {  	[smem:$0x3FB8] =	sst s0;
	s0 =	simm.s32 @!p1 $0x0  }
0x14: {  	s2 =	sld [smem:$0x3F9C];
	s0 =	simm.s32 @p1 $0x1  }
0x15: {  	[smem:$0x3FB9] =	sst s0;
	s0 =	simm.s32 @!p2 $0x0  }
0x16: {  	s3 =	sld [smem:$0x3FDB];
	s0 =	simm.s32 @p2 $0x1  }
0x17: {  	s4 =	simm.s32 $0x1BF5;
	[smem:$0x3FBB] =	sst s0  }
0x18: {  	s0 =	sld [smem:$0x3F9E];
	_ =	swait.ge [sflag:s4], $0x0  }
0x19: {  	s7 =	sld [smem:$0x3F9F]  }
0x1a: {  	s8 =	sadd.s32 $0xFFFFE003, lr  }
0x1b: {  	s9 =	sadd.s32 $0xFFFFFEF7, lr;
	s5 =	simm.s32 $0xFFFFFFFF;
	p2 =	slt.u32 s8, $0xFFFFF086  }
0x1c: {  	p1 =	slt.u32 s9, $0xF7A;
	s5 =	simm.s32 @!p2 $0x0  }
0x1d: {  	s5 =	simm.s32 @p1 $0x1;
	p0 =	seq.s32 s7, s2  }
0x1e: {  	s7 =	smul.u32 @!p0 $0xF7A, s2;
	p2 =	seq.s32 @!p0 s5, $0x0  }
0x1f: {  	s9 =	smul.u32 $0xF7A, s1;
	s8 =	simm.s32 @!p0 $0x1BF5;
	p2 =	por !p2, p0  }
0x20: {  	[sflag:s8] =	ssyncset.s32 @!p0 $0xFFFFF086;
	s6 =	sadd.s32 @!p0 s3, s7;
	s7 =	simm.s32 @!p0 $0x108  }
0x21: {  	s3 =	sadd.s32 s3, s9;
	s6 =	sadd.s32 @!p0 $0x88, s6;
	s7 =	simm.s32 @p2 $0x1082  }
0x22: {  	[simem:s7], [sflag:s8] =	dma.local @!p0 [hbm:s6], $0xF7A  }
0x23: {  	s9 =	sor.u32 $0xD0000000, s2;
	s6 =	simm.s32 $0x108;
	_ =	swait.ge @!p0 [sflag:s8], $0x0  }
0x24: {  	s3 =	sadd.s32 $0x88, s3;
	s6 =	simm.s32 @!p1 $0x1082;
	[sflag:s4] =	ssyncset.s32 $0xFFFFF086  }
0x25: {  	[simem:s6], [sflag:s4] =	dma.local [hbm:s3], $0xF7A  }
0x26: {  	[smem:$0x3F9F] =	sst s1;
	(tag) =	ssettag s2;
	_ =	strace s9  }
0x27: {  	s1 =	sld [smem:$0x3FAF]  }
0x28: {  	s2 =	sld [smem:$0x3FB0]  }
0x29: {  	s4 =	sld [smem:$0x3FB2]  }
0x2a: {  	p0 =	seq.s32 s5, $0x0;
	s5 =	sld [smem:$0x3FB3]  }
0x2b: {  	s6 =	sld [smem:$0x3FB4]  }
0x2c: {  	s7 =	sld [smem:$0x3FB5]  }
0x2d: {  	s3 =	simm.s32 $0x108;
	s8 =	sld [smem:$0x3FB6]  }
0x2e: {  	s3 =	simm.s32 @!p0 $0x1082;
	s9 =	sld [smem:$0x3FB7]  }
0x2f: {  	lr =	sadd.s32 s0, s3;
	s0 =	sld [smem:$0x3FAE]  }
0x30: {  	s3 =	sld [smem:$0x3FB1]  }
0x31: {  	[smem:$0x3FBA] =	sst s10  }
0x32: {  	s10 =	sld [smem:$0x3FB8];
	_ =	sdelay $0x3  }
0x33: {  	p0 =	seq.s32 s10, $0x1;
	s10 =	sld [smem:$0x3FBA];
	_ =	sdelay $0x3  }
0x34: {  	[smem:$0x3FBA] =	sst s10  }
0x35: {  	s10 =	sld [smem:$0x3FB9];
	_ =	sdelay $0x3  }
0x36: {  	p1 =	seq.s32 s10, $0x1;
	s10 =	sld [smem:$0x3FBA];
	_ =	sdelay $0x3  }
0x37: {  	[smem:$0x3FBA] =	sst s10  }
0x38: {  	s10 =	sld [smem:$0x3FBB]  }
0x39: {  	_ = 	snop;
	(pc) =	sbr.ind lr, $3  }
0x3a: {  	_ = 	snop  }
0x3b: {  	_ = 	snop  }
0x3c: {  	p2 =	seq.s32 s10, $0x1;
	s10 =	sld [smem:$0x3FBA]  }
0x3d: {  	_ =	shalt  }
0x3e: {  	_ =	shalt  }
0x3f: {  	_ =	shalt  }
0x40: {  	_ =	shalt  }
0x41: {  	_ =	shalt  }
0x42: {  	_ =	shalt  }
0x43: {  	_ =	shalt  }
0x44: {  	_ =	shalt  }
0x45: {  	_ =	shalt  }
0x46: {  	_ =	shalt  }
0x47: {  	_ =	shalt  }
0x48: {  	_ =	shalt  }
0x49: {  	_ =	shalt  }
0x4a: {  	_ =	shalt  }
0x4b: {  	_ =	shalt  }
0x4c: {  	_ =	shalt  }
0x4d: {  	_ =	shalt  }
0x4e: {  	_ =	shalt  }
0x4f: {  	_ =	shalt  }
0x50: {  	_ =	shalt  }
0x51: {  	_ =	shalt  }
0x52: {  	_ =	shalt  }
0x53: {  	_ =	shalt  }
0x54: {  	_ =	shalt  }
0x55: {  	_ =	shalt  }
0x56: {  	_ =	shalt  }
0x57: {  	_ =	shalt  }
0x58: {  	_ =	shalt  }
0x59: {  	_ =	shalt  }
0x5a: {  	_ =	shalt  }
0x5b: {  	_ =	shalt  }
0x5c: {  	_ =	shalt  }
0x5d: {  	_ =	shalt  }
0x5e: {  	_ =	shalt  }
0x5f: {  	_ =	shalt  }
0x60: {  	_ =	shalt  }
0x61: {  	_ =	shalt  }
0x62: {  	_ =	shalt  }
0x63: {  	_ =	shalt  }
0x64: {  	_ =	shalt  }
0x65: {  	_ =	shalt  }
0x66: {  	_ =	shalt  }
0x67: {  	_ =	shalt  }
0x68: {  	_ =	shalt  }
0x69: {  	_ =	shalt  }
0x6a: {  	_ =	shalt  }
0x6b: {  	_ =	shalt  }
0x6c: {  	_ =	shalt  }
0x6d: {  	_ =	shalt  }
0x6e: {  	_ =	shalt  }
0x6f: {  	_ =	shalt  }
0x70: {  	_ =	shalt  }
0x71: {  	_ =	shalt  }
0x72: {  	_ =	shalt  }
0x73: {  	_ =	shalt  }
0x74: {  	_ =	shalt  }
0x75: {  	_ =	shalt  }
0x76: {  	_ =	shalt  }
0x77: {  	_ =	shalt  }
0x78: {  	_ =	shalt  }
0x79: {  	_ =	shalt  }
0x7a: {  	_ =	shalt  }
0x7b: {  	_ =	shalt  }
0x7c: {  	_ =	shalt  }
0x7d: {  	_ =	shalt  }
0x7e: {  	_ =	shalt  }
0x7f: {  	_ =	shalt  }
0x80: {  	_ =	shalt  }
0x81: {  	_ =	shalt  }
0x82: {  	_ =	shalt  }
0x83: {  	_ =	shalt  }
0x84: {  	_ =	shalt  }
0x85: {  	_ =	shalt  }
0x86: {  	_ =	shalt  }
0x87: {  	_ =	shalt  }
.Lfunc_end0:
.L_simem_size_0:
called_computation_lowered:
.L_overlay_start_0:
0x88: {  	s2 =	sld [smem:$0x3FD9]  }
0x89: {  	s3 =	sld [smem:$0x3FFE];
	_ =	sdelay $0x1  }
0x8a: {  	s1 =	srdreg.scid  }
0x8b: {  	s0 =	sand.u32 $0x1, s1  }
0x8c: {  	s18 =	sshll.u32 s0, $0xA;
	s2 =	sadd.s32 s3, s2  }
0x8d: {  	s2 =	sadd.s32 s2, s18  }
0x8e: {  	[smem:$0x3FC6] =	sst s2  }
0x8f: {  	_ = 	snop  }
0x90: {  	s2 =	sld [smem:$0x3FC9]  }
0x91: {  	s19 =	sld [smem:$0x3FC8]  }
0x92: {  	s4 =	sld [smem:$0x3FD0];
	(tm) =	ssettm $0x1  }
0x93: {  	s5 =	sld [smem:$0x3FFB];
	_ =	sdelay $0x3  }
0x94: {  	_ =	strace s5  }
0x95: {  	s5 =	sld [smem:$0x3FFC];
	_ =	sdelay $0x3  }
0x96: {  	_ =	strace s5  }
0x97: {  	s5 =	sld [smem:$0x3FFD];
	_ =	sdelay $0x3  }
0x98: {  	_ =	strace s5  }
0x99: {  	_ =	strace $0x8FFFFFFF  }
0x9a: {  	s20 =	sld [smem:$0x3FDB];
	_ =	sdelay $0x1  }
0x9b: {  	s6 =	simm.s32 $_scs_section_size  }
0x9c: {  	s7 =	simm.s32 $_size__tile_overlayer_lowered;
	s8 =	simm.s32 $_tile_overlayer_lowered  }
0x9d: {  	s23 =	simm.s32 $0x1BFF;
	s22 =	sshll.u32 s8, $0x1;
	s5 =	sadd.s32 s6, s20  }
0x9e: {  	s9 =	simm.s32 $0x0;
	s21 =	sshll.u32 s7, $0x1;
	s7 =	sadd.s32 s22, s5  }
0x9f: {  	[timem:s9], [sflag:s23] =	dma.local [hbm:s7], s21  }
0xa0: {  	_ =	swait.ge [sflag:s23], s21  }
0xa1: {  	s6 =	ssub.s32 $0x0, s21;
	[sflag:s23] =	ssyncset.done $0x0  }
0xa2: {  	[sflag:s23] =	ssyncadd.s32 s6;
	_ =	sdelay $0x1  }
0xa3: {  	s24 =	simm.s32 $0x1B8B  }
0xa4: {  	_ =	swait.ge [sflag:s24], $0x1  }
0xa5: {  	[sflag:s24] =	ssyncset.done $0x0  }
0xa6: {  	s25 =	simm.s32 $0x1B8E;
	[sflag:s24] =	ssyncadd.s32 $0xFFFFFFFF  }
0xa7: {  	s26 =	simm.s32 $execute0_lowered;
	[smem:$0x3FD2] =	sst s25  }
0xa8: {  	s6 =	sshll.u32 s26, $0x1;
	_ =	strace $0x80000046;
	[dreg:$0x1] =	wrdreg $0xFFFFFFFF  }
0xa9: {  	s28 =	simm.s32 $_size_execute0_lowered;
	s5 =	sadd.s32 s5, s6;
	[dreg:$0x0] =	wrdreg $0x0  }
0xaa: {  	s6 =	sshll.u32 s28, $0x1;
	[dreg:$0x2] =	wrdreg s5  }
0xab: {  	[dreg:$0x3] =	wrdreg s6  }
0xac: {  	[dreg:$0x4] =	wrdreg $0xC0  }
0xad: {  	_ =	task [dreg:s9], $0x5FFFF  }
0xae: {  	[dreg:$0x1] =	wrdreg $0xFFFFFFFF  }
0xaf: {  	[dreg:$0x0] =	wrdreg $0x60  }
0xb0: {  	[dreg:$0x2] =	wrdreg s2  }
0xb1: {  	[dreg:$0x3] =	wrdreg s19  }
0xb2: {  	[dreg:$0x4] =	wrdreg s4  }
0xb3: {  	[dreg:$0x5] =	wrdreg $0x9  }
0xb4: {  	_ =	task.clear_ibuf [dreg:s9], $0x6FFFF;
	_ =	strace $0x90000046  }
0xb5: {  	s29 =	simm.s32 $0x9;
	_ =	strace $0x80000048  }
0xb6: {  	_ =	swait.ge [sflag:s29], $0x1  }
0xb7: {  	[sflag:s29] =	ssyncadd.s32 $0xFFFFFFFF  }
0xb8: {  	_ =	strace $0x90000048  }
0xb9: {  	_ =	sfence  }
0xba: {  	s30 =	sld [smem:$0x0];
	_ =	sdelay $0x2  }
0xbb: {  	s31 =	sshll.u32 s1, $0xD;
	s1 =	sshrl.u32 s1, $0x2  }
0xbc: {  	s3 =	sand.u32 $0x4000, s31;
	s1 =	sadd.s32 s1, s30  }
0xbd: {  	s0 =	sor.u32 s3, s0;
	s1 =	sshll.u32 s1, $0x11  }
0xbe: {  	s0 =	sor.u32 s1, s0  }
0xbf: {  	s0 =	sadd.s32 $0x8F2B, s0  }
0xc0: {  	[sflag:s0] =	ssyncadd.remote.s32 $0x1  }
0xc1: {  	_ =	sfence.sel $0xFFFF  }
0xc2: {  	[dreg:$0x0] =	wrdreg $0xFFFFFFFF;
	(pc) =	sbr.abs _section_cstart, $3  }
0xc3: {  	[dreg:$0x1] =	wrdreg $0xFFFFFFFF  }
0xc4: {  	_ =	task.clear_ibuf [dreg:s9], $0x2FFFF;
	_ =	strace $0x9FFFFFFF  }
0xc5: {  	(tm) =	ssettm $0x7FFFFFFF  }
tec
execute0_lowered:
.L_overlay_start_1:
0x0: {  	(tag) =	ssettag $0x1  }
0x1: {  	s4 =	rddreg [dreg:$0x0]  }
0x2: {  	s1 =	rddreg [dreg:$0x1]  }
0x3: {  	s5 =	rddreg [dreg:$0x2]  }
0x4: {  	s0 =	rddreg [dreg:$0x3];
	s3 =	simm.s32 $0x0;
	s6 =	srdreg.scid  }
0x5: {  	s2 =	stileid.u32;
	s10 =	simm.s32 $0x4200;
	s11 =	simm.s32 $0x100  }
0x6: {  	s12 =	simm.s32 $0x8200;
	s13 =	simm.s32 $0x180;
	s14 =	simm.s32 $0xC200  }
0x7: {  	s15 =	simm.s32 $0x1;
	s16 =	simm.s32 $0x2;
	s17 =	simm.s32 $0x3  }
0x8: {  	s18 =	simm.s32 $0x4;
	s19 =	simm.s32 $0x10200;
	s20 =	simm.s32 $0x5  }
0x9: {  	s21 =	simm.s32 $0x0;
	[smem:$0x7FF] =	sst s3;
	s6 =	sand.u32 $0x1, s6  }
0xa: {  	s8 =	sshll.u32 s2, $0xA;
	s7 =	ssub.s32 $0x2, s6;
	s6 =	sshll.u32 s6, $0x9  }
0xb: {  	_ =	strace $0x80000047;
	s9 =	sshrl.u32 s7, $0x1;
	s6 =	sor.u32 s6, s8  }
0xc: {  	s7 =	ssub.s32 s7, s9;
	s8 =	sshrl.u32 s6, $0x3;
	s6 =	sshll.u32 s6, $0x3  }
0xd: {  	s9 =	simm.s32 $0x200;
	s4 =	sadd.s32 s4, s8;
	s5 =	sadd.s32 s5, s6  }
0xe: {  	s6 =	smax.u32 s7, $0x1;
	s7 =	simm.s32 $0x6;
	s8 =	simm.s32 $0x80  }
.LBB2_1:
0xf: {  	[tilespmem:s3], [sflag:$0x6] =	stream.linear.gather [hbm4b:s4+s3], $0x200, $0x38;
	[tilespmem:$0x18200] =	vst v63  }
0x10: {  	_ =	swait.ge [sflag:s7], $0x200  }
0x11: {  	[sflag:s7] =	ssyncset.done $0x0  }
0x12: {  	[sflag:s7] =	ssyncadd.s32 $0xFFFFFE00  }
0x13: {  	[tilespmem:s9], [sflag:$0x1] =	stream.indirect.gather [hbm4b:s1+s8], $0x80, s3, s8, $0xb8;
	[tilespmem:$0x18200] =	vst v63  }
0x14: {  	_ = 	snop  }
0x15: {  	[tilespmem:s10], [sflag:$0x2] =	stream.indirect.gather [hbm4b:s1+s8], $0x80, s8, s8, $0xb8;
	[tilespmem:$0x18200] =	vst v63  }
0x16: {  	_ = 	snop  }
0x17: {  	[tilespmem:s12], [sflag:$0x3] =	stream.indirect.gather [hbm4b:s1+s8], $0x80, s11, s8, $0xb8;
	[tilespmem:$0x18200] =	vst v63  }
0x18: {  	_ = 	snop  }
0x19: {  	[tilespmem:s14], [sflag:$0x4] =	stream.indirect.gather [hbm4b:s1+s8], $0x80, s13, s8, $0xb8;
	[tilespmem:$0x18200] =	vst v63  }
0x1a: {  	_ =	swait.ge [sflag:s15], $0x4000  }
0x1b: {  	[sflag:s15] =	ssyncset.done $0x0  }
0x1c: {  	[sflag:s15] =	ssyncadd.s32 $0xFFFFC000  }
0x1d: {  	_ =	swait.ge [sflag:s16], $0x4000  }
0x1e: {  	[sflag:s16] =	ssyncset.done $0x0  }
0x1f: {  	[sflag:s16] =	ssyncadd.s32 $0xFFFFC000  }
0x20: {  	_ =	swait.ge [sflag:s17], $0x4000  }
0x21: {  	[sflag:s17] =	ssyncset.done $0x0  }
0x22: {  	[sflag:s17] =	ssyncadd.s32 $0xFFFFC000  }
0x23: {  	_ =	swait.ge [sflag:s18], $0x4000  }
0x24: {  	[sflag:s18] =	ssyncset.done $0x0  }
0x25: {  	s22 =	simm.s32 $0x400;
	[sflag:s18] =	ssyncadd.s32 $0xFFFFC000  }
0x26: {  	v0 =	vld [tilespmem:s22+$0x100]  }
0x27: {  	v1 =	vld [tilespmem:s22+$0x180];
	_ =	sdelay $0x2  }
0x28: {  	v2 =	vld [tilespmem:s22+$0xFFFFFF00]  }
0x29: {  	v3 =	vld [tilespmem:s22+$0xFFFFFF80]  }
0x2a: {  	s23 =	simm.s32 $0x10300;
	v4 =	vld [tilespmem:s22+$0xFFFFFE80];
	v0 =	vpack.i.f32.bf16 v1, v0  }
0x2b: {  	v1 =	vld [tilespmem:s22+$0xFFFFFE00];
	[tilespmem:s23+$0x80] =	vst v0  }
0x2c: {  	v0 =	vld [tilespmem:s22+$0x110]  }
0x2d: {  	v5 =	vld [tilespmem:s22+$0x190]  }
0x2e: {  	v6 =	vld [tilespmem:s22+$0x0];
	v2 =	vpack.i.f32.bf16 v3, v2  }
0x2f: {  	v3 =	vld [tilespmem:s22+$0x80];
	[tilespmem:s23+$0xFFFFFF80] =	vst v2  }
0x30: {  	v2 =	vld [tilespmem:s22+$0xFFFFFF10];
	v1 =	vpack.i.f32.bf16 v4, v1  }
0x31: {  	v4 =	vld [tilespmem:s22+$0xFFFFFF90];
	[tilespmem:s23+$0xFFFFFF00] =	vst v1  }
0x32: {  	v1 =	vld [tilespmem:s22+$0xFFFFFE10];
	v0 =	vpack.i.f32.bf16 v5, v0  }
0x33: {  	v5 =	vld [tilespmem:s22+$0xFFFFFE90];
	[tilespmem:s23+$0x90] =	vst v0  }
0x34: {  	v0 =	vpack.i.f32.bf16 v3, v6;
	v3 =	vld [tilespmem:s22+$0x120]  }
0x35: {  	[tilespmem:s23+$0x0] =	vst v0;
	v0 =	vld [tilespmem:s22+$0x1A0]  }
0x36: {  	v6 =	vld [tilespmem:s22+$0x10];
	v2 =	vpack.i.f32.bf16 v4, v2  }
0x37: {  	[tilespmem:s23+$0xFFFFFF90] =	vst v2;
	v2 =	vld [tilespmem:s22+$0x90]  }
0x38: {  	v4 =	vld [tilespmem:s22+$0xFFFFFF20];
	v1 =	vpack.i.f32.bf16 v5, v1  }
0x39: {  	v5 =	vld [tilespmem:s22+$0xFFFFFFA0];
	[tilespmem:s23+$0xFFFFFF10] =	vst v1  }
0x3a: {  	v1 =	vld [tilespmem:s22+$0xFFFFFE20];
	v0 =	vpack.i.f32.bf16 v0, v3  }
0x3b: {  	v3 =	vld [tilespmem:s22+$0xFFFFFEA0];
	[tilespmem:s23+$0xA0] =	vst v0  }
0x3c: {  	v0 =	vpack.i.f32.bf16 v2, v6;
	v2 =	vld [tilespmem:s22+$0x130]  }
0x3d: {  	[tilespmem:s23+$0x10] =	vst v0;
	v0 =	vld [tilespmem:s22+$0x1B0]  }
0x3e: {  	v4 =	vpack.i.f32.bf16 v5, v4;
	v5 =	vld [tilespmem:s22+$0x20]  }
0x3f: {  	[tilespmem:s23+$0xFFFFFFA0] =	vst v4;
	v4 =	vld [tilespmem:s22+$0xA0]  }
0x40: {  	v1 =	vpack.i.f32.bf16 v3, v1;
	v3 =	vld [tilespmem:s22+$0xFFFFFF30]  }
0x41: {  	[tilespmem:s23+$0xFFFFFF20] =	vst v1;
	v1 =	vld [tilespmem:s22+$0xFFFFFFB0]  }
0x42: {  	v6 =	vld [tilespmem:s22+$0xFFFFFE30];
	v0 =	vpack.i.f32.bf16 v0, v2  }
0x43: {  	v2 =	vld [tilespmem:s22+$0xFFFFFEB0];
	[tilespmem:s23+$0xB0] =	vst v0  }
0x44: {  	v0 =	vpack.i.f32.bf16 v4, v5;
	v4 =	vld [tilespmem:s22+$0x140]  }
0x45: {  	[tilespmem:s23+$0x20] =	vst v0;
	v0 =	vld [tilespmem:s22+$0x1C0]  }
0x46: {  	v1 =	vpack.i.f32.bf16 v1, v3;
	v3 =	vld [tilespmem:s22+$0x30]  }
0x47: {  	[tilespmem:s23+$0xFFFFFFB0] =	vst v1;
	v1 =	vld [tilespmem:s22+$0xB0]  }
0x48: {  	v2 =	vpack.i.f32.bf16 v2, v6;
	v5 =	vld [tilespmem:s22+$0xFFFFFF40]  }
0x49: {  	[tilespmem:s23+$0xFFFFFF30] =	vst v2;
	v2 =	vld [tilespmem:s22+$0xFFFFFFC0]  }
0x4a: {  	v6 =	vld [tilespmem:s22+$0xFFFFFE40];
	v0 =	vpack.i.f32.bf16 v0, v4  }
0x4b: {  	v4 =	vld [tilespmem:s22+$0xFFFFFEC0];
	[tilespmem:s23+$0xC0] =	vst v0  }
0x4c: {  	v0 =	vpack.i.f32.bf16 v1, v3;
	v1 =	vld [tilespmem:s22+$0x150]  }
0x4d: {  	[tilespmem:s23+$0x30] =	vst v0;
	v0 =	vld [tilespmem:s22+$0x1D0]  }
0x4e: {  	v2 =	vpack.i.f32.bf16 v2, v5;
	v3 =	vld [tilespmem:s22+$0x40]  }
0x4f: {  	[tilespmem:s23+$0xFFFFFFC0] =	vst v2;
	v2 =	vld [tilespmem:s22+$0xC0]  }
0x50: {  	v4 =	vpack.i.f32.bf16 v4, v6;
	v5 =	vld [tilespmem:s22+$0xFFFFFF50]  }
0x51: {  	[tilespmem:s23+$0xFFFFFF40] =	vst v4;
	v4 =	vld [tilespmem:s22+$0xFFFFFFD0]  }
0x52: {  	v6 =	vld [tilespmem:s22+$0xFFFFFE50];
	v0 =	vpack.i.f32.bf16 v0, v1  }
0x53: {  	v1 =	vld [tilespmem:s22+$0xFFFFFED0];
	[tilespmem:s23+$0xD0] =	vst v0  }
0x54: {  	v0 =	vpack.i.f32.bf16 v2, v3;
	v2 =	vld [tilespmem:s22+$0x160]  }
0x55: {  	[tilespmem:s23+$0x40] =	vst v0;
	v0 =	vld [tilespmem:s22+$0x1E0]  }
0x56: {  	v3 =	vpack.i.f32.bf16 v4, v5;
	v4 =	vld [tilespmem:s22+$0x50]  }
0x57: {  	[tilespmem:s23+$0xFFFFFFD0] =	vst v3;
	v3 =	vld [tilespmem:s22+$0xD0]  }
0x58: {  	v1 =	vpack.i.f32.bf16 v1, v6;
	v5 =	vld [tilespmem:s22+$0xFFFFFF60]  }
0x59: {  	[tilespmem:s23+$0xFFFFFF50] =	vst v1;
	v1 =	vld [tilespmem:s22+$0xFFFFFFE0]  }
0x5a: {  	v6 =	vld [tilespmem:s22+$0xFFFFFE60];
	v0 =	vpack.i.f32.bf16 v0, v2  }
0x5b: {  	v2 =	vld [tilespmem:s22+$0xFFFFFEE0];
	[tilespmem:s23+$0xE0] =	vst v0  }
0x5c: {  	v0 =	vpack.i.f32.bf16 v3, v4;
	v7 =	vld [tilespmem:s22+$0x170]  }
0x5d: {  	[tilespmem:s23+$0x50] =	vst v0;
	v8 =	vld [tilespmem:s22+$0x1F0]  }
0x5e: {  	v1 =	vpack.i.f32.bf16 v1, v5;
	v0 =	vld [tilespmem:s22+$0x60]  }
0x5f: {  	v3 =	vld [tilespmem:s22+$0xE0];
	[tilespmem:s23+$0xFFFFFFE0] =	vst v1  }
0x60: {  	v2 =	vpack.i.f32.bf16 v2, v6;
	v1 =	vld [tilespmem:s22+$0xFFFFFF70]  }
0x61: {  	v4 =	vld [tilespmem:s22+$0xFFFFFFF0];
	[tilespmem:s23+$0xFFFFFF60] =	vst v2  }
0x62: {  	v2 =	vld [tilespmem:s22+$0xFFFFFE70];
	v6 =	vpack.i.f32.bf16 v8, v7  }
0x63: {  	s25 =	simm.s32 $0x0;
	s26 =	simm.s32 $0x800;
	s24 =	simm.s32 $0x10300;
	v5 =	vld [tilespmem:s22+$0xFFFFFEF0];
	[tilespmem:s23+$0xF0] =	vst v6  }
.LBB2_2:
0x64: {  	v6 =	vld [tilespmem:s26+$0x100];
	v0 =	vpack.i.f32.bf16 v3, v0  }
0x65: {  	v3 =	vld [tilespmem:s26+$0x180];
	[tilespmem:s23+$0x60] =	vst v0  }
0x66: {  	v0 =	vld [tilespmem:s26+$0xFFFFFE80];
	v1 =	vpack.i.f32.bf16 v4, v1  }
0x67: {  	v4 =	vld [tilespmem:s26+$0xFFFFFF00];
	[tilespmem:s23+$0xFFFFFFF0] =	vst v1  }
0x68: {  	v1 =	vld [tilespmem:s26+$0xFFFFFF80];
	v2 =	vpack.i.f32.bf16 v5, v2  }
0x69: {  	v5 =	vld [tilespmem:s26+$0x0];
	[tilespmem:s23+$0xFFFFFF70] =	vst v2  }
0x6a: {  	s23 =	sadd.s32 $0x200, s23;
	v2 =	vld [tilespmem:s26+$0x80];
	v3 =	vpack.i.f32.bf16 v3, v6  }
0x6b: {  	v6 =	vld [tilespmem:s26+$0xFFFFFE00];
	[tilespmem:s23+$0x80] =	vst v3  }
0x6c: {  	s25 =	sadd.s32 $0x4, s25;
	v3 =	vld [tilespmem:s26+$0x110]  }
0x6d: {  	p0 =	slt.u32 s25, $0xFC;
	v1 =	vpack.i.f32.bf16 v1, v4;
	v4 =	vld [tilespmem:s26+$0x190]  }
0x6e: {  	[tilespmem:s23+$0xFFFFFF80] =	vst v1;
	v1 =	vld [tilespmem:s22+$0x70]  }
0x6f: {  	v7 =	vld [tilespmem:s26+$0xFFFFFF10];
	v2 =	vpack.i.f32.bf16 v2, v5  }
0x70: {  	v0 =	vpack.i.f32.bf16 v0, v6;
	v5 =	vld [tilespmem:s26+$0xFFFFFF90];
	[tilespmem:s23+$0x0] =	vst v2  }
0x71: {  	[tilespmem:s23+$0xFFFFFF00] =	vst v0;
	v0 =	vld [tilespmem:s26+$0x10]  }
0x72: {  	v2 =	vld [tilespmem:s26+$0xFFFFFE10];
	v3 =	vpack.i.f32.bf16 v4, v3  }
0x73: {  	v4 =	vld [tilespmem:s26+$0xFFFFFE90];
	[tilespmem:s23+$0x90] =	vst v3  }
0x74: {  	v3 =	vld [tilespmem:s26+$0x120]  }
0x75: {  	v5 =	vpack.i.f32.bf16 v5, v7;
	v6 =	vld [tilespmem:s26+$0x1A0]  }
0x76: {  	[tilespmem:s23+$0xFFFFFF90] =	vst v5;
	v5 =	vld [tilespmem:s26+$0x90]  }
0x77: {  	v7 =	vld [tilespmem:s26+$0xFFFFFF20]  }
0x78: {  	v2 =	vpack.i.f32.bf16 v4, v2;
	v4 =	vld [tilespmem:s26+$0xFFFFFFA0]  }
0x79: {  	[tilespmem:s23+$0xFFFFFF10] =	vst v2;
	v2 =	vld [tilespmem:s22+$0xF0];
	s22 =	smov.u32 s26  }
0x7a: {  	v8 =	vld [tilespmem:s26+$0xFFFFFE20];
	v3 =	vpack.i.f32.bf16 v6, v3  }
0x7b: {  	v6 =	vld [tilespmem:s26+$0xFFFFFEA0];
	v0 =	vpack.i.f32.bf16 v5, v0;
	[tilespmem:s23+$0xA0] =	vst v3  }
0x7c: {  	[tilespmem:s23+$0x10] =	vst v0;
	v0 =	vld [tilespmem:s26+$0x130]  }
0x7d: {  	v3 =	vpack.i.f32.bf16 v4, v7;
	v4 =	vld [tilespmem:s26+$0x1B0]  }
0x7e: {  	[tilespmem:s23+$0xFFFFFFA0] =	vst v3;
	v3 =	vld [tilespmem:s26+$0x20];
	v1 =	vpack.i.f32.bf16 v2, v1  }
0x7f: {  	v2 =	vld [tilespmem:s26+$0xA0];
	[tilespmem:s24+$0x70] =	vst v1;
	s24 =	smov.u32 s23  }
0x80: {  	v1 =	vpack.i.f32.bf16 v6, v8;
	v5 =	vld [tilespmem:s26+$0xFFFFFF30]  }
0x81: {  	[tilespmem:s23+$0xFFFFFF20] =	vst v1;
	v1 =	vld [tilespmem:s26+$0xFFFFFFB0]  }
0x82: {  	v6 =	vld [tilespmem:s26+$0xFFFFFE30];
	v0 =	vpack.i.f32.bf16 v4, v0  }
0x83: {  	v4 =	vld [tilespmem:s26+$0xFFFFFEB0];
	[tilespmem:s23+$0xB0] =	vst v0  }
0x84: {  	v0 =	vpack.i.f32.bf16 v2, v3;
	v2 =	vld [tilespmem:s26+$0x140]  }
0x85: {  	[tilespmem:s23+$0x20] =	vst v0;
	v0 =	vld [tilespmem:s26+$0x1C0]  }
0x86: {  	v1 =	vpack.i.f32.bf16 v1, v5;
	v3 =	vld [tilespmem:s26+$0x30]  }
0x87: {  	[tilespmem:s23+$0xFFFFFFB0] =	vst v1;
	v1 =	vld [tilespmem:s26+$0xB0]  }
0x88: {  	v4 =	vpack.i.f32.bf16 v4, v6;
	v5 =	vld [tilespmem:s26+$0xFFFFFF40]  }
0x89: {  	[tilespmem:s23+$0xFFFFFF30] =	vst v4;
	v4 =	vld [tilespmem:s26+$0xFFFFFFC0]  }
0x8a: {  	v6 =	vld [tilespmem:s26+$0xFFFFFE40];
	v0 =	vpack.i.f32.bf16 v0, v2  }
0x8b: {  	v2 =	vld [tilespmem:s26+$0xFFFFFEC0];
	[tilespmem:s23+$0xC0] =	vst v0  }
0x8c: {  	v0 =	vpack.i.f32.bf16 v1, v3;
	v1 =	vld [tilespmem:s26+$0x150]  }
0x8d: {  	[tilespmem:s23+$0x30] =	vst v0;
	v0 =	vld [tilespmem:s26+$0x1D0]  }
0x8e: {  	v3 =	vpack.i.f32.bf16 v4, v5;
	v4 =	vld [tilespmem:s26+$0x40]  }
0x8f: {  	[tilespmem:s23+$0xFFFFFFC0] =	vst v3;
	v3 =	vld [tilespmem:s26+$0xC0]  }
0x90: {  	v2 =	vpack.i.f32.bf16 v2, v6;
	v5 =	vld [tilespmem:s26+$0xFFFFFF50]  }
0x91: {  	[tilespmem:s23+$0xFFFFFF40] =	vst v2;
	v2 =	vld [tilespmem:s26+$0xFFFFFFD0]  }
0x92: {  	v6 =	vld [tilespmem:s26+$0xFFFFFE50];
	v0 =	vpack.i.f32.bf16 v0, v1  }
0x93: {  	v1 =	vld [tilespmem:s26+$0xFFFFFED0];
	[tilespmem:s23+$0xD0] =	vst v0  }
0x94: {  	v0 =	vpack.i.f32.bf16 v3, v4;
	v3 =	vld [tilespmem:s26+$0x160]  }
0x95: {  	[tilespmem:s23+$0x40] =	vst v0;
	v0 =	vld [tilespmem:s26+$0x1E0]  }
0x96: {  	v2 =	vpack.i.f32.bf16 v2, v5;
	v4 =	vld [tilespmem:s26+$0x50]  }
0x97: {  	[tilespmem:s23+$0xFFFFFFD0] =	vst v2;
	v2 =	vld [tilespmem:s26+$0xD0]  }
0x98: {  	v1 =	vpack.i.f32.bf16 v1, v6;
	v5 =	vld [tilespmem:s26+$0xFFFFFF60]  }
0x99: {  	[tilespmem:s23+$0xFFFFFF50] =	vst v1;
	v1 =	vld [tilespmem:s26+$0xFFFFFFE0]  }
0x9a: {  	v6 =	vld [tilespmem:s26+$0xFFFFFE60];
	v0 =	vpack.i.f32.bf16 v0, v3  }
0x9b: {  	v7 =	vld [tilespmem:s26+$0xFFFFFEE0];
	[tilespmem:s23+$0xE0] =	vst v0  }
0x9c: {  	v0 =	vpack.i.f32.bf16 v2, v4;
	v8 =	vld [tilespmem:s26+$0x170]  }
0x9d: {  	[tilespmem:s23+$0x50] =	vst v0;
	v9 =	vld [tilespmem:s26+$0x1F0]  }
0x9e: {  	v1 =	vpack.i.f32.bf16 v1, v5;
	v0 =	vld [tilespmem:s26+$0x60]  }
.Ltmp0:
0x9f: {  	[tilespmem:s23+$0xFFFFFFE0] =	vst v1;
	v3 =	vld [tilespmem:s26+$0xE0];
	(pc) =	sbr.rel @p0 .LBB2_2-.Ltmp0, $4  }
0xa0: {  	v2 =	vpack.i.f32.bf16 v7, v6;
	v1 =	vld [tilespmem:s26+$0xFFFFFF70]  }
0xa1: {  	[tilespmem:s23+$0xFFFFFF60] =	vst v2;
	v4 =	vld [tilespmem:s26+$0xFFFFFFF0]  }
0xa2: {  	v2 =	vld [tilespmem:s26+$0xFFFFFE70];
	v6 =	vpack.i.f32.bf16 v9, v8  }
0xa3: {  	s26 =	sadd.s32 $0x400, s26;
	v5 =	vld [tilespmem:s22+$0xFFFFFEF0];
	[tilespmem:s23+$0xF0] =	vst v6  }
0xa4: {  	v0 =	vpack.i.f32.bf16 v3, v0  }
0xa5: {  	[tilespmem:s23+$0x60] =	vst v0  }
0xa6: {  	v0 =	vld [tilespmem:s22+$0x70]  }
0xa7: {  	v62 =	vld [tilespmem:s22+$0xF0];
	_ =	sdelay $0x2  }
0xa8: {  	v1 =	vpack.i.f32.bf16 v4, v1  }
0xa9: {  	s21 =	sadd.s32 $0x1, s21;
	[tilespmem:s23+$0xFFFFFFF0] =	vst v1;
	v63 =	vpack.i.f32.bf16 v5, v2  }
0xaa: {  	p0 =	sne.s32 s21, s6;
	[tilespmem:s23+$0xFFFFFF70] =	vst v63;
	v0 =	vpack.i.f32.bf16 v62, v0  }
.Ltmp1:
0xab: {  	[tilespmem:s24+$0x70] =	vst v0;
	(pc) =	sbr.rel @p0 .LBB2_1-.Ltmp1, $4  }
0xac: {  	[hbm4b:s5+s3] =	stream.linear.scatter [tilespmem:s19], [sflag:$0x5], $0x8000, $0x38;
	[tilespmem:$0x18200] =	vst v63  }
0xad: {  	_ =	swait.ge [sflag:s20], $0x8000  }
0xae: {  	[sflag:s20] =	ssyncset.done $0x0  }
0xaf: {  	[sflag:s20] =	ssyncadd.s32 $0xFFFF8000  }
0xb0: {  	_ =	sfence.sel $0x180000  }
0xb1: {  	[bflag:$0x0] =	sbarrier.arrive $0xFFFF  }
0xb2: {  	p0 =	sne.s32 s2, $0x0;
	_ =	strace $0x90000047  }
0xb3: {  	s0 =	sadd.s32 @!p0 $0x100000, s0;
	[bflag:$0x2] =	sbarrier.arrive $0xFFFF  }
0xb4: {  	[sflag:s0] =	ssyncadd.tile.s32 @!p0 $0x1;
	_ =	shalt  }
.Lfunc_end2:
_tile_overlayer_lowered:
.L_overlay_start_2:
0xb5: {  	(tag) =	ssettag $0x2  }
0xb6: {  	s0 =	rddreg [dreg:$0x0];
	s2 =	stileid.u32  }
0xb7: {  	s1 =	rddreg [dreg:$0x1];
	p0 =	sne.s32 s2, $0x0  }
0xb8: {  	s3 =	rddreg [dreg:$0x2];
	[bflag:$0x3] =	sbarrier.arrive $0xFFFF;
	s2 =	simm.s32 @!p0 $0x1C06  }
0xb9: {  	[timem:s3], [sflag:s2] =	dma.local @!p0 [hbm:s0], s1  }
0xba: {  	s0 =	simm.s32 @!p0 $0x6  }
0xbb: {  	_ =	swait.ge @!p0 [sflag:s0], s1  }
0xbc: {  	s1 =	ssub.s32 @!p0 $0x0, s1;
	[sflag:s0] =	ssyncset.done @!p0 $0x0  }
0xbd: {  	[sflag:s0] =	ssyncadd.s32 @!p0 s1  }
0xbe: {  	[bflag:$0x3] =	sbarrier.arrive $0xFFFF  }
0xbf: {  	_ =	shalt  }

</sc_bundles>
